<compile_context>
chip_gen: v7x
topology: tpu7x:2x2x1
jax: 0.10.2.dev20260603
libtpu: 0.0.44.dev20260713+nightly
codegen_flags: <defaults>
</compile_context>

<pallas_src>
import functools

import jax
import jax.numpy as jnp
from jax import lax
from jax.experimental import pallas as pl
from jax.experimental.pallas import tpu as pltpu
from jax.experimental.pallas import tpu_sc as plsc

_G = 2
_TILE_A = 2048
_TILE = 2048
_CHUNK = 128


def _proj_body(x_ref, w_ref, b_ref, lt_ref, idx0_ref, idx1_ref, *, num_vars):
    lt = lax.dot_general(
        w_ref[...], x_ref[...], (((1,), (1,)), ((), ())),
        preferred_element_type=jnp.float32)
    lt = lt + jnp.transpose(jnp.reshape(b_ref[...], (1, 2 * num_vars)), (1, 0))
    lt_ref[...] = lt.astype(jnp.bfloat16)

    iota = lax.broadcasted_iota(jnp.int32, (num_vars, _TILE_A), 0)
    for g, idx_ref in ((0, idx0_ref), (1, idx1_ref)):
        lg = lt[g * num_vars:(g + 1) * num_vars, :]
        m = jnp.max(lg, axis=0, keepdims=True)
        k = jnp.min(jnp.where(lg == m, iota, num_vars), axis=0, keepdims=True)
        idx_ref[...] = jnp.reshape(k + g * num_vars,
                                   (_TILE_A // _CHUNK, _CHUNK))


def _project_and_select(x, W, b, num_vars):
    rows, fsz = x.shape
    gv = W.shape[0]
    grid = rows // _TILE_A
    nchunks = rows // _CHUNK
    body = functools.partial(_proj_body, num_vars=num_vars)
    return pl.pallas_call(
        body,
        grid=(grid,),
        in_specs=[
            pl.BlockSpec((_TILE_A, fsz), lambda i: (i, 0)),
            pl.BlockSpec((gv, fsz), lambda i: (0, 0)),
            pl.BlockSpec((gv,), lambda i: (0,)),
        ],
        out_specs=[
            pl.BlockSpec((gv, _TILE_A), lambda i: (0, i)),
            pl.BlockSpec((_TILE_A // _CHUNK, _CHUNK), lambda i: (i, 0)),
            pl.BlockSpec((_TILE_A // _CHUNK, _CHUNK), lambda i: (i, 0)),
        ],
        out_shape=[
            jax.ShapeDtypeStruct((gv, rows), jnp.bfloat16),
            jax.ShapeDtypeStruct((nchunks, _CHUNK), jnp.int32),
            jax.ShapeDtypeStruct((nchunks, _CHUNK), jnp.int32),
        ],
        compiler_params=pltpu.CompilerParams(
            dimension_semantics=("parallel",)),
    )(x, W, b)


def _stats_body(lt_ref, idx0_ref, idx1_ref, cperp_ref, pperp_ref,
                psum_acc, cnt_acc, *, num_vars, rows):
    i = pl.program_id(0)
    nsteps = pl.num_programs(0)

    @pl.when(i == 0)
    def _init():
        psum_acc[...] = jnp.zeros_like(psum_acc)
        cnt_acc[...] = jnp.zeros_like(cnt_acc)

    lt = lt_ref[...].astype(jnp.float32)
    iota = lax.broadcasted_iota(jnp.int32, (num_vars, _TILE), 0)
    ones_row = jnp.ones((1, _TILE), jnp.float32)
    for g, idx_ref in ((0, idx0_ref), (1, idx1_ref)):
        lg = lt[g * num_vars:(g + 1) * num_vars, :]
        m = jnp.max(lg, axis=0, keepdims=True)
        e = jnp.exp(lg - m)
        w_s = 1.0 / jnp.sum(e, axis=0, keepdims=True)
        psum_acc[:, g:g + 1] += lax.dot_general(
            e, w_s, (((1,), (1,)), ((), ())),
            preferred_element_type=jnp.float32)
        k = jnp.reshape(idx_ref[...], (1, _TILE)) - g * num_vars
        oh = (iota == k).astype(jnp.float32)
        cnt_acc[:, g:g + 1] += lax.dot_general(
            oh, ones_row, (((1,), (1,)), ((), ())),
            preferred_element_type=jnp.float32)

    @pl.when(i == nsteps - 1)
    def _fini():
        inv_n = 1.0 / rows
        hp = cnt_acc[...] * inv_n
        ent_h = jnp.sum(hp * jnp.log(hp + 1e-7), axis=0, keepdims=True)
        cperp_ref[...] = jnp.sum(jnp.exp(-ent_h), axis=1, keepdims=True)
        ap = psum_acc[...] * inv_n
        ent_a = jnp.sum(ap * jnp.log(ap + 1e-7), axis=0, keepdims=True)
        pperp_ref[...] = jnp.sum(jnp.exp(-ent_a), axis=1, keepdims=True)


def _perplexities(lt, idx0, idx1, num_vars):
    gv, rows = lt.shape
    grid = rows // _TILE
    body = functools.partial(_stats_body, num_vars=num_vars, rows=float(rows))
    return pl.pallas_call(
        body,
        grid=(grid,),
        in_specs=[
            pl.BlockSpec((gv, _TILE), lambda i: (0, i)),
            pl.BlockSpec((_TILE // _CHUNK, _CHUNK), lambda i: (i, 0)),
            pl.BlockSpec((_TILE // _CHUNK, _CHUNK), lambda i: (i, 0)),
        ],
        out_specs=[
            pl.BlockSpec((1, 1), lambda i: (0, 0)),
            pl.BlockSpec((1, 1), lambda i: (0, 0)),
        ],
        out_shape=[
            jax.ShapeDtypeStruct((1, 1), jnp.float32),
            jax.ShapeDtypeStruct((1, 1), jnp.float32),
        ],
        scratch_shapes=[
            pltpu.VMEM((num_vars, _G), jnp.float32),
            pltpu.VMEM((num_vars, _G), jnp.float32),
        ],
    )(lt, idx0, idx1)


def _gather_body(table_hbm, idx0_hbm, idx1_hbm, out_hbm, idx_v, rows_v, sem,
                 *, num_cores, tok_w, var_dim):
    wid = lax.axis_index("s") * num_cores + lax.axis_index("c")
    cw = tok_w // _CHUNK
    pltpu.sync_copy(idx0_hbm.at[pl.ds(wid * cw, cw)], idx_v.at[pl.ds(0, cw)])
    pltpu.sync_copy(idx1_hbm.at[pl.ds(wid * cw, cw)], idx_v.at[pl.ds(cw, cw)])
    cps = [
        pltpu.async_copy(table_hbm.at[idx_v.at[g * cw + c]],
                         rows_v.at[pl.ds((g * cw + c) * _CHUNK, _CHUNK)], sem)
        for g in range(_G) for c in range(cw)
    ]
    for c in cps:
        c.wait()
    for g in range(_G):
        pltpu.sync_copy(
            rows_v.at[pl.ds(g * tok_w, tok_w)],
            out_hbm.at[pl.ds(wid * tok_w, tok_w),
                       pl.ds(g * var_dim, var_dim)])


def _sc_gather(table, idx0, idx1, n_tok):
    var_dim = table.shape[-1]
    info = plsc.get_sparse_core_info()
    nw = info.num_cores * info.num_subcores
    tok_w = n_tok // nw
    mesh = plsc.VectorSubcoreMesh(core_axis_name="c", subcore_axis_name="s")
    body = functools.partial(_gather_body, num_cores=info.num_cores,
                             tok_w=tok_w, var_dim=var_dim)
    f = pl.kernel(
        body,
        out_type=jax.ShapeDtypeStruct((n_tok, _G * var_dim), jnp.float32),
        mesh=mesh,
        scratch_types=[
            pltpu.VMEM((_G * tok_w // _CHUNK, _CHUNK), jnp.int32),
            pltpu.VMEM((_G * tok_w, var_dim), jnp.float32),
            pltpu.SemaphoreType.DMA,
        ],
    )
    return f(table, idx0, idx1)


def kernel(x, codebook, W, b):
    bsz, tsz, fsz = x.shape
    rows = bsz * tsz
    gv = W.shape[0]
    num_vars = gv // _G
    var_dim = codebook.shape[-1]

    lt, idx0, idx1 = _project_and_select(
        x.reshape(rows, fsz), W, b, num_vars)
    q2d = _sc_gather(codebook.reshape(gv, var_dim), idx0, idx1, rows)
    cperp, pperp = _perplexities(lt, idx0, idx1, num_vars)
    q = q2d.reshape(bsz, tsz, _G * var_dim)
    return (q, gv, cperp.reshape(()), pperp.reshape(()))

# --- scband reference (transcript-rebuilt; emitter-appended) ---
"""Pipeline reference for scband-gumbel-vector-quantizer-11940009083260 (READ-ONLY COPY).

The authoritative reference and input builder live on the scoring server;
editing this copy changes nothing except your own understanding.
"""

import jax, jax.numpy as jnp
import numpy as np

NUM_GROUPS = 2
NUM_VARS = 320
INPUT_DIM = 768
VQ_DIM = 256
VAR_DIM = VQ_DIM // NUM_GROUPS

def setup_inputs(seed: int = 0) -> dict:
    key = jax.random.key(seed)
    k1, k2, k3 = jax.random.split(key, 3)
    x = jax.random.normal(k1, (4, 2048, INPUT_DIM), dtype=jnp.float32)
    # nn.Parameter(torch.FloatTensor(1, G*V, var_dim)) with uniform_ init -> U[0,1)
    codebook = jax.random.uniform(k2, (1, NUM_GROUPS * NUM_VARS, VAR_DIM), dtype=jnp.float32)
    # weight_proj: Linear(input_dim, G*V); weight normal(0,1), bias zeros
    W = jax.random.normal(k3, (NUM_GROUPS * NUM_VARS, INPUT_DIM), dtype=jnp.float32)
    b = jnp.zeros((NUM_GROUPS * NUM_VARS,), dtype=jnp.float32)
    return {"x": x, "codebook": codebook, "W": W, "b": b}

def reference(x, codebook, W, b):
    # eval-mode forward (self.training == False): hard argmax one-hot selection
    bsz, tsz, fsz = x.shape
    xf = x.reshape(-1, fsz)
    logits = xf @ W.T + b  # [B*T, G*V]
    lg = logits.reshape(bsz * tsz * NUM_GROUPS, -1)  # [B*T*G, V]
    k = jnp.argmax(lg, axis=-1)
    # scatter_ of 1.0 at argmax == one-hot
    hard_x = jax.nn.one_hot(k, NUM_VARS, dtype=lg.dtype).reshape(bsz * tsz, NUM_GROUPS, -1)
    hard_probs = jnp.mean(hard_x.astype(jnp.float32), axis=0)
    code_perplexity = jnp.exp(-jnp.sum(hard_probs * jnp.log(hard_probs + 1e-07), axis=-1)).sum()
    avg_probs = jax.nn.softmax(lg.reshape(bsz * tsz, NUM_GROUPS, -1).astype(jnp.float32), axis=-1).mean(axis=0)
    prob_perplexity = jnp.exp(-jnp.sum(avg_probs * jnp.log(avg_probs + 1e-07), axis=-1)).sum()
    codeword_probs = hard_x.reshape(bsz * tsz, -1)  # [B*T, G*V]
    q = codeword_probs[:, :, None] * codebook  # [B*T, G*V, var_dim]
    q = q.reshape(bsz * tsz, NUM_GROUPS, NUM_VARS, -1)
    q = q.sum(-2)
    q = q.reshape(bsz, tsz, -1)
    return (q, NUM_VARS * NUM_GROUPS, code_perplexity, prob_perplexity)

if __name__ == "__main__":
    import jax
    _d = setup_inputs()
    print(jax.jit(kernel)(*tuple(_d.values())))

</pallas_src>

<mosaic_0001>
#map = affine_map<(d0, d1) -> (0, 0)>
module attributes {stable_mosaic.version = 14 : i64} {
  func.func @_gather_body(%arg0: i32, %arg1: i32, %arg2: memref<640x128xf32, #tpu.memory_space<hbm>>, %arg3: memref<64x128xi32, #tpu.memory_space<hbm>>, %arg4: memref<64x128xi32, #tpu.memory_space<hbm>>, %arg5: memref<8192x256xf32, #tpu.memory_space<hbm>>, %arg6: memref<4x128xi32, #tpu.memory_space<vmem>>, %arg7: memref<512x128xf32, #tpu.memory_space<vmem>>, %arg8: memref<!tpu.dma_semaphore, #tpu.memory_space<semaphore_mem>>) attributes {dimension_semantics = [#tpu.dimension_semantics<core_parallel>, #tpu.dimension_semantics<subcore_parallel>], iteration_bounds = array<i64: 2, 16>, scalar_prefetch = 0 : i64, scratch_operands = 3 : i64, tpu.core_type = #tpu.core_type<sc_vector_subcore>, window_params = [{transform_indices = #map}, {transform_indices = #map}, {transform_indices = #map}, {transform_indices = #map}]} {
    %mul3A = arith.constant 2 : i32
    %mul3A_0 = arith.muli %arg1, %mul3A : i32
    %add3A = arith.addi %mul3A_0, %arg0 : i32
    %mul3A_1 = arith.constant 2 : i32
    %mul3A_2 = arith.muli %add3A, %mul3A_1 : i32
    "tpu.region"() ({
      %run_scoped3A = tpu.sem_alloc : memref<!tpu.dma_semaphore, #tpu.memory_space<semaphore_mem>>
      %dma_start3A_87 = arith.constant 0 : i32
      %dma_start3A_88 = arith.constant 0 : i32
      %dma_start3A_89 = tpu.memref_slice %arg6[%dma_start3A_87, %dma_start3A_88] : memref<4x128xi32, #tpu.memory_space<vmem>> -> memref<2x128xi32, #tpu.memory_space<vmem>>
      %dma_start3A_90 = arith.constant 0 : i32
      %dma_start3A_91 = tpu.memref_slice %arg3[%mul3A_2, %dma_start3A_90] : memref<64x128xi32, #tpu.memory_space<hbm>> -> memref<2x128xi32, #tpu.memory_space<hbm>>
      %dma_start3A_92 = arith.constant 0 : i32
      %dma_start3A_93 = arith.constant 0 : i32
      %dma_start3A_94 = tpu.memref_slice %arg6[%dma_start3A_92, %dma_start3A_93] : memref<4x128xi32, #tpu.memory_space<vmem>> -> memref<2x128xi32, #tpu.memory_space<vmem>>
      %dma_start3A_95 = arith.constant 0 : i32
      %dma_start3A_96 = tpu.memref_slice %arg3[%mul3A_2, %dma_start3A_95] : memref<64x128xi32, #tpu.memory_space<hbm>> -> memref<2x128xi32, #tpu.memory_space<hbm>>
      tpu.enqueue_dma source(%dma_start3A_96 : memref<2x128xi32, #tpu.memory_space<hbm>>) target(%dma_start3A_94 : memref<2x128xi32, #tpu.memory_space<vmem>>) target_semaphore(%run_scoped3A : memref<!tpu.dma_semaphore, #tpu.memory_space<semaphore_mem>>)
      %dma_wait3A_97 = arith.constant 0 : i32
      %dma_wait3A_98 = arith.constant 0 : i32
      %dma_wait3A_99 = tpu.memref_slice %arg6[%dma_wait3A_97, %dma_wait3A_98] : memref<4x128xi32, #tpu.memory_space<vmem>> -> memref<2x128xi32, #tpu.memory_space<vmem>>
      %dma_wait3A_100 = arith.constant 0 : i32
      %dma_wait3A_101 = tpu.memref_slice %arg3[%mul3A_2, %dma_wait3A_100] : memref<64x128xi32, #tpu.memory_space<hbm>> -> memref<2x128xi32, #tpu.memory_space<hbm>>
      %dma_wait3A_102 = arith.constant 0 : i32
      %dma_wait3A_103 = arith.constant 0 : i32
      %dma_wait3A_104 = tpu.memref_slice %arg6[%dma_wait3A_102, %dma_wait3A_103] : memref<4x128xi32, #tpu.memory_space<vmem>> -> memref<2x128xi32, #tpu.memory_space<vmem>>
      %dma_wait3A_105 = arith.constant 0 : i32
      %dma_wait3A_106 = tpu.memref_slice %arg3[%mul3A_2, %dma_wait3A_105] : memref<64x128xi32, #tpu.memory_space<hbm>> -> memref<2x128xi32, #tpu.memory_space<hbm>>
      tpu.wait_dma2 semaphore(%run_scoped3A : memref<!tpu.dma_semaphore, #tpu.memory_space<semaphore_mem>>) src(%dma_wait3A_106 : memref<2x128xi32, #tpu.memory_space<hbm>>) dst(%dma_wait3A_104 : memref<2x128xi32, #tpu.memory_space<vmem>>)
      tpu.yield
    }) : () -> ()
    %mul3A_3 = arith.constant 2 : i32
    %mul3A_4 = arith.muli %add3A, %mul3A_3 : i32
    "tpu.region"() ({
      %run_scoped3A = tpu.sem_alloc : memref<!tpu.dma_semaphore, #tpu.memory_space<semaphore_mem>>
      %dma_start3A_87 = arith.constant 2 : i32
      %dma_start3A_88 = arith.constant 0 : i32
      %dma_start3A_89 = tpu.memref_slice %arg6[%dma_start3A_87, %dma_start3A_88] : memref<4x128xi32, #tpu.memory_space<vmem>> -> memref<2x128xi32, #tpu.memory_space<vmem>>
      %dma_start3A_90 = arith.constant 0 : i32
      %dma_start3A_91 = tpu.memref_slice %arg4[%mul3A_4, %dma_start3A_90] : memref<64x128xi32, #tpu.memory_space<hbm>> -> memref<2x128xi32, #tpu.memory_space<hbm>>
      %dma_start3A_92 = arith.constant 2 : i32
      %dma_start3A_93 = arith.constant 0 : i32
      %dma_start3A_94 = tpu.memref_slice %arg6[%dma_start3A_92, %dma_start3A_93] : memref<4x128xi32, #tpu.memory_space<vmem>> -> memref<2x128xi32, #tpu.memory_space<vmem>>
      %dma_start3A_95 = arith.constant 0 : i32
      %dma_start3A_96 = tpu.memref_slice %arg4[%mul3A_4, %dma_start3A_95] : memref<64x128xi32, #tpu.memory_space<hbm>> -> memref<2x128xi32, #tpu.memory_space<hbm>>
      tpu.enqueue_dma source(%dma_start3A_96 : memref<2x128xi32, #tpu.memory_space<hbm>>) target(%dma_start3A_94 : memref<2x128xi32, #tpu.memory_space<vmem>>) target_semaphore(%run_scoped3A : memref<!tpu.dma_semaphore, #tpu.memory_space<semaphore_mem>>)
      %dma_wait3A_97 = arith.constant 2 : i32
      %dma_wait3A_98 = arith.constant 0 : i32
      %dma_wait3A_99 = tpu.memref_slice %arg6[%dma_wait3A_97, %dma_wait3A_98] : memref<4x128xi32, #tpu.memory_space<vmem>> -> memref<2x128xi32, #tpu.memory_space<vmem>>
      %dma_wait3A_100 = arith.constant 0 : i32
      %dma_wait3A_101 = tpu.memref_slice %arg4[%mul3A_4, %dma_wait3A_100] : memref<64x128xi32, #tpu.memory_space<hbm>> -> memref<2x128xi32, #tpu.memory_space<hbm>>
      %dma_wait3A_102 = arith.constant 2 : i32
      %dma_wait3A_103 = arith.constant 0 : i32
      %dma_wait3A_104 = tpu.memref_slice %arg6[%dma_wait3A_102, %dma_wait3A_103] : memref<4x128xi32, #tpu.memory_space<vmem>> -> memref<2x128xi32, #tpu.memory_space<vmem>>
      %dma_wait3A_105 = arith.constant 0 : i32
      %dma_wait3A_106 = tpu.memref_slice %arg4[%mul3A_4, %dma_wait3A_105] : memref<64x128xi32, #tpu.memory_space<hbm>> -> memref<2x128xi32, #tpu.memory_space<hbm>>
      tpu.wait_dma2 semaphore(%run_scoped3A : memref<!tpu.dma_semaphore, #tpu.memory_space<semaphore_mem>>) src(%dma_wait3A_106 : memref<2x128xi32, #tpu.memory_space<hbm>>) dst(%dma_wait3A_104 : memref<2x128xi32, #tpu.memory_space<vmem>>)
      tpu.yield
    }) : () -> ()
    %dma_start3A = arith.constant 0 : i32
    %dma_start3A_5 = arith.constant 0 : i32
    %dma_start3A_6 = arith.constant 0 : i32
    %dma_start3A_7 = tpu.memref_slice %arg7[%dma_start3A_5, %dma_start3A_6] : memref<512x128xf32, #tpu.memory_space<vmem>> -> memref<128x128xf32, #tpu.memory_space<vmem>>
    %dma_start3A_8 = arith.constant 0 : i32
    %dma_start3A_9 = tpu.memref_slice %arg6[%dma_start3A, %dma_start3A_8] : memref<4x128xi32, #tpu.memory_space<vmem>> -> memref<1x128xi32, #tpu.memory_space<vmem>>
    %dma_start3A_10 = tpu.memref_squeeze %dma_start3A_9 : memref<1x128xi32, #tpu.memory_space<vmem>> -> memref<128xi32, #tpu.memory_space<vmem>>
    %dma_start3A_11 = arith.constant 0 : i32
    %dma_start3A_12 = arith.constant 0 : i32
    %dma_start3A_13 = tpu.memref_slice %arg2[%dma_start3A_11, %dma_start3A_12] : memref<640x128xf32, #tpu.memory_space<hbm>> -> memref<640x128xf32, #tpu.memory_space<hbm>>
    tpu.enqueue_indirect_dma source(%dma_start3A_13 : memref<640x128xf32, #tpu.memory_space<hbm>>) target(%dma_start3A_7 : memref<128x128xf32, #tpu.memory_space<vmem>>) offsets(%dma_start3A_10 : memref<128xi32, #tpu.memory_space<vmem>>) semaphore(%arg8 : memref<!tpu.dma_semaphore, #tpu.memory_space<semaphore_mem>>)
    %dma_start3A_14 = arith.constant 1 : i32
    %dma_start3A_15 = arith.constant 128 : i32
    %dma_start3A_16 = arith.constant 0 : i32
    %dma_start3A_17 = tpu.memref_slice %arg7[%dma_start3A_15, %dma_start3A_16] : memref<512x128xf32, #tpu.memory_space<vmem>> -> memref<128x128xf32, #tpu.memory_space<vmem>>
    %dma_start3A_18 = arith.constant 0 : i32
    %dma_start3A_19 = tpu.memref_slice %arg6[%dma_start3A_14, %dma_start3A_18] : memref<4x128xi32, #tpu.memory_space<vmem>> -> memref<1x128xi32, #tpu.memory_space<vmem>>
    %dma_start3A_20 = tpu.memref_squeeze %dma_start3A_19 : memref<1x128xi32, #tpu.memory_space<vmem>> -> memref<128xi32, #tpu.memory_space<vmem>>
    %dma_start3A_21 = arith.constant 0 : i32
    %dma_start3A_22 = arith.constant 0 : i32
    %dma_start3A_23 = tpu.memref_slice %arg2[%dma_start3A_21, %dma_start3A_22] : memref<640x128xf32, #tpu.memory_space<hbm>> -> memref<640x128xf32, #tpu.memory_space<hbm>>
    tpu.enqueue_indirect_dma source(%dma_start3A_23 : memref<640x128xf32, #tpu.memory_space<hbm>>) target(%dma_start3A_17 : memref<128x128xf32, #tpu.memory_space<vmem>>) offsets(%dma_start3A_20 : memref<128xi32, #tpu.memory_space<vmem>>) semaphore(%arg8 : memref<!tpu.dma_semaphore, #tpu.memory_space<semaphore_mem>>)
    %dma_start3A_24 = arith.constant 2 : i32
    %dma_start3A_25 = arith.constant 256 : i32
    %dma_start3A_26 = arith.constant 0 : i32
    %dma_start3A_27 = tpu.memref_slice %arg7[%dma_start3A_25, %dma_start3A_26] : memref<512x128xf32, #tpu.memory_space<vmem>> -> memref<128x128xf32, #tpu.memory_space<vmem>>
    %dma_start3A_28 = arith.constant 0 : i32
    %dma_start3A_29 = tpu.memref_slice %arg6[%dma_start3A_24, %dma_start3A_28] : memref<4x128xi32, #tpu.memory_space<vmem>> -> memref<1x128xi32, #tpu.memory_space<vmem>>
    %dma_start3A_30 = tpu.memref_squeeze %dma_start3A_29 : memref<1x128xi32, #tpu.memory_space<vmem>> -> memref<128xi32, #tpu.memory_space<vmem>>
    %dma_start3A_31 = arith.constant 0 : i32
    %dma_start3A_32 = arith.constant 0 : i32
    %dma_start3A_33 = tpu.memref_slice %arg2[%dma_start3A_31, %dma_start3A_32] : memref<640x128xf32, #tpu.memory_space<hbm>> -> memref<640x128xf32, #tpu.memory_space<hbm>>
    tpu.enqueue_indirect_dma source(%dma_start3A_33 : memref<640x128xf32, #tpu.memory_space<hbm>>) target(%dma_start3A_27 : memref<128x128xf32, #tpu.memory_space<vmem>>) offsets(%dma_start3A_30 : memref<128xi32, #tpu.memory_space<vmem>>) semaphore(%arg8 : memref<!tpu.dma_semaphore, #tpu.memory_space<semaphore_mem>>)
    %dma_start3A_34 = arith.constant 3 : i32
    %dma_start3A_35 = arith.constant 384 : i32
    %dma_start3A_36 = arith.constant 0 : i32
    %dma_start3A_37 = tpu.memref_slice %arg7[%dma_start3A_35, %dma_start3A_36] : memref<512x128xf32, #tpu.memory_space<vmem>> -> memref<128x128xf32, #tpu.memory_space<vmem>>
    %dma_start3A_38 = arith.constant 0 : i32
    %dma_start3A_39 = tpu.memref_slice %arg6[%dma_start3A_34, %dma_start3A_38] : memref<4x128xi32, #tpu.memory_space<vmem>> -> memref<1x128xi32, #tpu.memory_space<vmem>>
    %dma_start3A_40 = tpu.memref_squeeze %dma_start3A_39 : memref<1x128xi32, #tpu.memory_space<vmem>> -> memref<128xi32, #tpu.memory_space<vmem>>
    %dma_start3A_41 = arith.constant 0 : i32
    %dma_start3A_42 = arith.constant 0 : i32
    %dma_start3A_43 = tpu.memref_slice %arg2[%dma_start3A_41, %dma_start3A_42] : memref<640x128xf32, #tpu.memory_space<hbm>> -> memref<640x128xf32, #tpu.memory_space<hbm>>
    tpu.enqueue_indirect_dma source(%dma_start3A_43 : memref<640x128xf32, #tpu.memory_space<hbm>>) target(%dma_start3A_37 : memref<128x128xf32, #tpu.memory_space<vmem>>) offsets(%dma_start3A_40 : memref<128xi32, #tpu.memory_space<vmem>>) semaphore(%arg8 : memref<!tpu.dma_semaphore, #tpu.memory_space<semaphore_mem>>)
    %dma_wait3A = arith.constant 0 : i32
    %dma_wait3A_44 = arith.constant 0 : i32
    %dma_wait3A_45 = arith.constant 0 : i32
    %dma_wait3A_46 = tpu.memref_slice %arg7[%dma_wait3A_44, %dma_wait3A_45] : memref<512x128xf32, #tpu.memory_space<vmem>> -> memref<128x128xf32, #tpu.memory_space<vmem>>
    %dma_wait3A_47 = arith.constant 0 : i32
    %dma_wait3A_48 = tpu.memref_slice %arg6[%dma_wait3A, %dma_wait3A_47] : memref<4x128xi32, #tpu.memory_space<vmem>> -> memref<1x128xi32, #tpu.memory_space<vmem>>
    %dma_wait3A_49 = tpu.memref_squeeze %dma_wait3A_48 : memref<1x128xi32, #tpu.memory_space<vmem>> -> memref<128xi32, #tpu.memory_space<vmem>>
    %dma_wait3A_50 = arith.constant 0 : i32
    %dma_wait3A_51 = arith.constant 0 : i32
    %dma_wait3A_52 = tpu.memref_slice %arg2[%dma_wait3A_50, %dma_wait3A_51] : memref<640x128xf32, #tpu.memory_space<hbm>> -> memref<640x128xf32, #tpu.memory_space<hbm>>
    tpu.wait_indirect_dma semaphore(%arg8 : memref<!tpu.dma_semaphore, #tpu.memory_space<semaphore_mem>>) src(%dma_wait3A_52 : memref<640x128xf32, #tpu.memory_space<hbm>>) dst(%dma_wait3A_46 : memref<128x128xf32, #tpu.memory_space<vmem>>)
    %dma_wait3A_53 = arith.constant 1 : i32
    %dma_wait3A_54 = arith.constant 128 : i32
    %dma_wait3A_55 = arith.constant 0 : i32
    %dma_wait3A_56 = tpu.memref_slice %arg7[%dma_wait3A_54, %dma_wait3A_55] : memref<512x128xf32, #tpu.memory_space<vmem>> -> memref<128x128xf32, #tpu.memory_space<vmem>>
    %dma_wait3A_57 = arith.constant 0 : i32
    %dma_wait3A_58 = tpu.memref_slice %arg6[%dma_wait3A_53, %dma_wait3A_57] : memref<4x128xi32, #tpu.memory_space<vmem>> -> memref<1x128xi32, #tpu.memory_space<vmem>>
    %dma_wait3A_59 = tpu.memref_squeeze %dma_wait3A_58 : memref<1x128xi32, #tpu.memory_space<vmem>> -> memref<128xi32, #tpu.memory_space<vmem>>
    %dma_wait3A_60 = arith.constant 0 : i32
    %dma_wait3A_61 = arith.constant 0 : i32
    %dma_wait3A_62 = tpu.memref_slice %arg2[%dma_wait3A_60, %dma_wait3A_61] : memref<640x128xf32, #tpu.memory_space<hbm>> -> memref<640x128xf32, #tpu.memory_space<hbm>>
    tpu.wait_indirect_dma semaphore(%arg8 : memref<!tpu.dma_semaphore, #tpu.memory_space<semaphore_mem>>) src(%dma_wait3A_62 : memref<640x128xf32, #tpu.memory_space<hbm>>) dst(%dma_wait3A_56 : memref<128x128xf32, #tpu.memory_space<vmem>>)
    %dma_wait3A_63 = arith.constant 2 : i32
    %dma_wait3A_64 = arith.constant 256 : i32
    %dma_wait3A_65 = arith.constant 0 : i32
    %dma_wait3A_66 = tpu.memref_slice %arg7[%dma_wait3A_64, %dma_wait3A_65] : memref<512x128xf32, #tpu.memory_space<vmem>> -> memref<128x128xf32, #tpu.memory_space<vmem>>
    %dma_wait3A_67 = arith.constant 0 : i32
    %dma_wait3A_68 = tpu.memref_slice %arg6[%dma_wait3A_63, %dma_wait3A_67] : memref<4x128xi32, #tpu.memory_space<vmem>> -> memref<1x128xi32, #tpu.memory_space<vmem>>
    %dma_wait3A_69 = tpu.memref_squeeze %dma_wait3A_68 : memref<1x128xi32, #tpu.memory_space<vmem>> -> memref<128xi32, #tpu.memory_space<vmem>>
    %dma_wait3A_70 = arith.constant 0 : i32
    %dma_wait3A_71 = arith.constant 0 : i32
    %dma_wait3A_72 = tpu.memref_slice %arg2[%dma_wait3A_70, %dma_wait3A_71] : memref<640x128xf32, #tpu.memory_space<hbm>> -> memref<640x128xf32, #tpu.memory_space<hbm>>
    tpu.wait_indirect_dma semaphore(%arg8 : memref<!tpu.dma_semaphore, #tpu.memory_space<semaphore_mem>>) src(%dma_wait3A_72 : memref<640x128xf32, #tpu.memory_space<hbm>>) dst(%dma_wait3A_66 : memref<128x128xf32, #tpu.memory_space<vmem>>)
    %dma_wait3A_73 = arith.constant 3 : i32
    %dma_wait3A_74 = arith.constant 384 : i32
    %dma_wait3A_75 = arith.constant 0 : i32
    %dma_wait3A_76 = tpu.memref_slice %arg7[%dma_wait3A_74, %dma_wait3A_75] : memref<512x128xf32, #tpu.memory_space<vmem>> -> memref<128x128xf32, #tpu.memory_space<vmem>>
    %dma_wait3A_77 = arith.constant 0 : i32
    %dma_wait3A_78 = tpu.memref_slice %arg6[%dma_wait3A_73, %dma_wait3A_77] : memref<4x128xi32, #tpu.memory_space<vmem>> -> memref<1x128xi32, #tpu.memory_space<vmem>>
    %dma_wait3A_79 = tpu.memref_squeeze %dma_wait3A_78 : memref<1x128xi32, #tpu.memory_space<vmem>> -> memref<128xi32, #tpu.memory_space<vmem>>
    %dma_wait3A_80 = arith.constant 0 : i32
    %dma_wait3A_81 = arith.constant 0 : i32
    %dma_wait3A_82 = tpu.memref_slice %arg2[%dma_wait3A_80, %dma_wait3A_81] : memref<640x128xf32, #tpu.memory_space<hbm>> -> memref<640x128xf32, #tpu.memory_space<hbm>>
    tpu.wait_indirect_dma semaphore(%arg8 : memref<!tpu.dma_semaphore, #tpu.memory_space<semaphore_mem>>) src(%dma_wait3A_82 : memref<640x128xf32, #tpu.memory_space<hbm>>) dst(%dma_wait3A_76 : memref<128x128xf32, #tpu.memory_space<vmem>>)
    %mul3A_83 = arith.constant 256 : i32
    %mul3A_84 = arith.muli %add3A, %mul3A_83 : i32
    "tpu.region"() ({
      %run_scoped3A = tpu.sem_alloc : memref<!tpu.dma_semaphore, #tpu.memory_space<semaphore_mem>>
      %dma_start3A_87 = arith.constant 0 : i32
      %dma_start3A_88 = arith.constant 0 : i32
      %dma_start3A_89 = tpu.memref_slice %arg7[%dma_start3A_87, %dma_start3A_88] : memref<512x128xf32, #tpu.memory_space<vmem>> -> memref<256x128xf32, #tpu.memory_space<vmem>>
      %dma_start3A_90 = arith.constant 0 : i32
      %dma_start3A_91 = tpu.memref_slice %arg5[%mul3A_84, %dma_start3A_90] : memref<8192x256xf32, #tpu.memory_space<hbm>> -> memref<256x128xf32, #tpu.memory_space<hbm>>
      %dma_start3A_92 = arith.constant 0 : i32
      %dma_start3A_93 = tpu.memref_slice %arg5[%mul3A_84, %dma_start3A_92] : memref<8192x256xf32, #tpu.memory_space<hbm>> -> memref<256x128xf32, #tpu.memory_space<hbm>>
      %dma_start3A_94 = arith.constant 0 : i32
      %dma_start3A_95 = arith.constant 0 : i32
      %dma_start3A_96 = tpu.memref_slice %arg7[%dma_start3A_94, %dma_start3A_95] : memref<512x128xf32, #tpu.memory_space<vmem>> -> memref<256x128xf32, #tpu.memory_space<vmem>>
      tpu.enqueue_dma source(%dma_start3A_96 : memref<256x128xf32, #tpu.memory_space<vmem>>) target(%dma_start3A_93 : memref<256x128xf32, #tpu.memory_space<hbm>>) target_semaphore(%run_scoped3A : memref<!tpu.dma_semaphore, #tpu.memory_space<semaphore_mem>>)
      %dma_wait3A_97 = arith.constant 0 : i32
      %dma_wait3A_98 = arith.constant 0 : i32
      %dma_wait3A_99 = tpu.memref_slice %arg7[%dma_wait3A_97, %dma_wait3A_98] : memref<512x128xf32, #tpu.memory_space<vmem>> -> memref<256x128xf32, #tpu.memory_space<vmem>>
      %dma_wait3A_100 = arith.constant 0 : i32
      %dma_wait3A_101 = tpu.memref_slice %arg5[%mul3A_84, %dma_wait3A_100] : memref<8192x256xf32, #tpu.memory_space<hbm>> -> memref<256x128xf32, #tpu.memory_space<hbm>>
      %dma_wait3A_102 = arith.constant 0 : i32
      %dma_wait3A_103 = tpu.memref_slice %arg5[%mul3A_84, %dma_wait3A_102] : memref<8192x256xf32, #tpu.memory_space<hbm>> -> memref<256x128xf32, #tpu.memory_space<hbm>>
      %dma_wait3A_104 = arith.constant 0 : i32
      %dma_wait3A_105 = arith.constant 0 : i32
      %dma_wait3A_106 = tpu.memref_slice %arg7[%dma_wait3A_104, %dma_wait3A_105] : memref<512x128xf32, #tpu.memory_space<vmem>> -> memref<256x128xf32, #tpu.memory_space<vmem>>
      tpu.wait_dma2 semaphore(%run_scoped3A : memref<!tpu.dma_semaphore, #tpu.memory_space<semaphore_mem>>) src(%dma_wait3A_106 : memref<256x128xf32, #tpu.memory_space<vmem>>) dst(%dma_wait3A_103 : memref<256x128xf32, #tpu.memory_space<hbm>>)
      tpu.yield
    }) : () -> ()
    %mul3A_85 = arith.constant 256 : i32
    %mul3A_86 = arith.muli %add3A, %mul3A_85 : i32
    "tpu.region"() ({
      %run_scoped3A = tpu.sem_alloc : memref<!tpu.dma_semaphore, #tpu.memory_space<semaphore_mem>>
      %dma_start3A_87 = arith.constant 256 : i32
      %dma_start3A_88 = arith.constant 0 : i32
      %dma_start3A_89 = tpu.memref_slice %arg7[%dma_start3A_87, %dma_start3A_88] : memref<512x128xf32, #tpu.memory_space<vmem>> -> memref<256x128xf32, #tpu.memory_space<vmem>>
      %dma_start3A_90 = arith.constant 128 : i32
      %dma_start3A_91 = tpu.memref_slice %arg5[%mul3A_86, %dma_start3A_90] : memref<8192x256xf32, #tpu.memory_space<hbm>> -> memref<256x128xf32, #tpu.memory_space<hbm>>
      %dma_start3A_92 = arith.constant 128 : i32
      %dma_start3A_93 = tpu.memref_slice %arg5[%mul3A_86, %dma_start3A_92] : memref<8192x256xf32, #tpu.memory_space<hbm>> -> memref<256x128xf32, #tpu.memory_space<hbm>>
      %dma_start3A_94 = arith.constant 256 : i32
      %dma_start3A_95 = arith.constant 0 : i32
      %dma_start3A_96 = tpu.memref_slice %arg7[%dma_start3A_94, %dma_start3A_95] : memref<512x128xf32, #tpu.memory_space<vmem>> -> memref<256x128xf32, #tpu.memory_space<vmem>>
      tpu.enqueue_dma source(%dma_start3A_96 : memref<256x128xf32, #tpu.memory_space<vmem>>) target(%dma_start3A_93 : memref<256x128xf32, #tpu.memory_space<hbm>>) target_semaphore(%run_scoped3A : memref<!tpu.dma_semaphore, #tpu.memory_space<semaphore_mem>>)
      %dma_wait3A_97 = arith.constant 256 : i32
      %dma_wait3A_98 = arith.constant 0 : i32
      %dma_wait3A_99 = tpu.memref_slice %arg7[%dma_wait3A_97, %dma_wait3A_98] : memref<512x128xf32, #tpu.memory_space<vmem>> -> memref<256x128xf32, #tpu.memory_space<vmem>>
      %dma_wait3A_100 = arith.constant 128 : i32
      %dma_wait3A_101 = tpu.memref_slice %arg5[%mul3A_86, %dma_wait3A_100] : memref<8192x256xf32, #tpu.memory_space<hbm>> -> memref<256x128xf32, #tpu.memory_space<hbm>>
      %dma_wait3A_102 = arith.constant 128 : i32
      %dma_wait3A_103 = tpu.memref_slice %arg5[%mul3A_86, %dma_wait3A_102] : memref<8192x256xf32, #tpu.memory_space<hbm>> -> memref<256x128xf32, #tpu.memory_space<hbm>>
      %dma_wait3A_104 = arith.constant 256 : i32
      %dma_wait3A_105 = arith.constant 0 : i32
      %dma_wait3A_106 = tpu.memref_slice %arg7[%dma_wait3A_104, %dma_wait3A_105] : memref<512x128xf32, #tpu.memory_space<vmem>> -> memref<256x128xf32, #tpu.memory_space<vmem>>
      tpu.wait_dma2 semaphore(%run_scoped3A : memref<!tpu.dma_semaphore, #tpu.memory_space<semaphore_mem>>) src(%dma_wait3A_106 : memref<256x128xf32, #tpu.memory_space<vmem>>) dst(%dma_wait3A_103 : memref<256x128xf32, #tpu.memory_space<hbm>>)
      tpu.yield
    }) : () -> ()
    return
  }
}

module attributes {stable_mosaic.version = 14 : i64} {
  func.func @_stats_body(%arg0: i32, %arg1: memref<640x2048xbf16, #tpu.memory_space<vmem>>, %arg2: memref<16x128xi32, #tpu.memory_space<vmem>>, %arg3: memref<16x128xi32, #tpu.memory_space<vmem>>, %arg4: memref<1x1xf32, #tpu.memory_space<vmem>>, %arg5: memref<1x1xf32, #tpu.memory_space<vmem>>, %arg6: memref<320x2xf32, #tpu.memory_space<vmem>>, %arg7: memref<320x2xf32, #tpu.memory_space<vmem>>) attributes {dimension_semantics = [#tpu.dimension_semantics<arbitrary>], iteration_bounds = array<i64: 4>, scalar_prefetch = 0 : i64, scratch_operands = 2 : i64, tpu.core_type = #tpu.core_type<tc>, window_params = [{transform_indices = @transform_0, window_bounds = array<i64: 640, 2048>}, {transform_indices = @transform_1, window_bounds = array<i64: 16, 128>}, {transform_indices = @transform_2, window_bounds = array<i64: 16, 128>}, {pipeline_mode = #tpu.pipeline_mode<synchronous>, transform_indices = @transform_3, window_bounds = array<i64: 1, 1>}, {pipeline_mode = #tpu.pipeline_mode<synchronous>, transform_indices = @transform_4, window_bounds = array<i64: 1, 1>}]} {
    %eq3A = arith.constant 0 : i32
    %eq3A_0 = arith.cmpi eq, %arg0, %eq3A : i32
    %convert_element_type3A = arith.extui %eq3A_0 : i1 to i32
    %cond3A = arith.constant 0 : i32
    %cond3A_1 = arith.cmpi ne, %convert_element_type3A, %cond3A : i32
    scf.if %cond3A_1 {
      %broadcast_in_dim3A_85 = arith.constant 0.000000e+00 : f32
      %broadcast_in_dim3A_86 = vector.broadcast %broadcast_in_dim3A_85 : f32 to vector<320x2xf32>
      %swap3A_87 = arith.constant 0 : index
      %swap3A_88 = arith.constant 0 : index
      %swap3A_89 = vector.load %arg6[%swap3A_87, %swap3A_88] : memref<320x2xf32, #tpu.memory_space<vmem>>, vector<320x2xf32>
      tpu.vector_store %arg6[%swap3A_87, %swap3A_88], %broadcast_in_dim3A_86 {strides = array<i32>} : memref<320x2xf32, #tpu.memory_space<vmem>>, vector<320x2xf32>,
      %broadcast_in_dim3A_90 = arith.constant 0.000000e+00 : f32
      %broadcast_in_dim3A_91 = vector.broadcast %broadcast_in_dim3A_90 : f32 to vector<320x2xf32>
      %swap3A_92 = arith.constant 0 : index
      %swap3A_93 = arith.constant 0 : index
      %swap3A_94 = vector.load %arg7[%swap3A_92, %swap3A_93] : memref<320x2xf32, #tpu.memory_space<vmem>>, vector<320x2xf32>
      tpu.vector_store %arg7[%swap3A_92, %swap3A_93], %broadcast_in_dim3A_91 {strides = array<i32>} : memref<320x2xf32, #tpu.memory_space<vmem>>, vector<320x2xf32>,
    } else {
    }
    %get3A = arith.constant 0 : index
    %get3A_2 = arith.constant 0 : index
    %get3A_3 = vector.load %arg1[%get3A, %get3A_2] : memref<640x2048xbf16, #tpu.memory_space<vmem>>, vector<640x2048xbf16>
    %convert_element_type3A_4 = arith.extf %get3A_3 : vector<640x2048xbf16> to vector<640x2048xf32>
    %iota3A = tpu.iota {dimensions = array<i32: 0>} : vector<320x2048xi32>
    %broadcast_in_dim3A = arith.constant 1.000000e+00 : f32
    %broadcast_in_dim3A_5 = vector.broadcast %broadcast_in_dim3A : f32 to vector<1x2048xf32>
    %slice3A = vector.extract_strided_slice %convert_element_type3A_4 {offsets = [0, 0], sizes = [320, 2048], strides = [1, 1]} : vector<640x2048xf32> to vector<320x2048xf32>
    %reduce_max3A = arith.constant dense<0xFF800000> : vector<2048xf32>
    %reduce_max3A_6 = vector.multi_reduction <maximumf>, %slice3A, %reduce_max3A [0] : vector<320x2048xf32> to vector<2048xf32>
    %broadcast_in_dim3A_7 = vector.shape_cast %reduce_max3A_6 : vector<2048xf32> to vector<1x2048xf32>
    %sub3A = vector.broadcast %broadcast_in_dim3A_7 : vector<1x2048xf32> to vector<320x2048xf32>
    %sub3A_8 = arith.subf %slice3A, %sub3A : vector<320x2048xf32>
    %exp3A = math.exp %sub3A_8 : vector<320x2048xf32>
    %reduce_sum3A = arith.constant dense<0.000000e+00> : vector<2048xf32>
    %reduce_sum3A_9 = vector.multi_reduction <add>, %exp3A, %reduce_sum3A [0] : vector<320x2048xf32> to vector<2048xf32>
    %broadcast_in_dim3A_10 = vector.shape_cast %reduce_sum3A_9 : vector<2048xf32> to vector<1x2048xf32>
    %div3A = arith.constant 1.000000e+00 : f32
    %div3A_11 = vector.broadcast %div3A : f32 to vector<1x2048xf32>
    %div3A_12 = arith.divf %div3A_11, %broadcast_in_dim3A_10 : vector<1x2048xf32>
    %get3A_13 = arith.constant 0 : index
    %get3A_14 = arith.constant 0 : index
    %get3A_15 = vector.load %arg6[%get3A_13, %get3A_14] : memref<320x2xf32, #tpu.memory_space<vmem>>, vector<320x1xf32>
    %dot_general3A = arith.constant dense<0.000000e+00> : vector<320x1xf32>
    %dot_general3A_16 = tpu.matmul %exp3A, %div3A_12, %dot_general3A {dimension_numbers = #tpu.dot_dimension_numbers<[1], [1], [0], [0], [0, 0, 1, 0], [], []>, transpose_lhs_hint = false} : vector<320x2048xf32>, vector<1x2048xf32>, vector<320x1xf32> -> vector<320x1xf32>
    %add3A = arith.addf %get3A_15, %dot_general3A_16 : vector<320x1xf32>
    %swap3A = arith.constant 0 : index
    %swap3A_17 = arith.constant 0 : index
    %swap3A_18 = vector.load %arg6[%swap3A, %swap3A_17] : memref<320x2xf32, #tpu.memory_space<vmem>>, vector<320x1xf32>
    tpu.vector_store %arg6[%swap3A, %swap3A_17], %add3A {strides = array<i32>} : memref<320x2xf32, #tpu.memory_space<vmem>>, vector<320x1xf32>,
    %get3A_19 = arith.constant 0 : index
    %get3A_20 = arith.constant 0 : index
    %get3A_21 = vector.load %arg2[%get3A_19, %get3A_20] : memref<16x128xi32, #tpu.memory_space<vmem>>, vector<16x128xi32>
    %reshape3A = vector.shape_cast %get3A_21 : vector<16x128xi32> to vector<1x2048xi32>
    %sub3A_22 = arith.constant 0 : i32
    %sub3A_23 = vector.broadcast %sub3A_22 : i32 to vector<1x2048xi32>
    %sub3A_24 = arith.subi %reshape3A, %sub3A_23 : vector<1x2048xi32>
    %eq3A_25 = vector.broadcast %sub3A_24 : vector<1x2048xi32> to vector<320x2048xi32>
    %eq3A_26 = arith.cmpi eq, %iota3A, %eq3A_25 : vector<320x2048xi32>
    %convert_element_type3A_27 = arith.extui %eq3A_26 : vector<320x2048xi1> to vector<320x2048xi32>
    %convert_element_type3A_28 = arith.sitofp %convert_element_type3A_27 : vector<320x2048xi32> to vector<320x2048xf32>
    %get3A_29 = arith.constant 0 : index
    %get3A_30 = arith.constant 0 : index
    %get3A_31 = vector.load %arg7[%get3A_29, %get3A_30] : memref<320x2xf32, #tpu.memory_space<vmem>>, vector<320x1xf32>
    %dot_general3A_32 = arith.constant dense<0.000000e+00> : vector<320x1xf32>
    %dot_general3A_33 = tpu.matmul %convert_element_type3A_28, %broadcast_in_dim3A_5, %dot_general3A_32 {dimension_numbers = #tpu.dot_dimension_numbers<[1], [1], [0], [0], [0, 0, 1, 0], [], []>, transpose_lhs_hint = false} : vector<320x2048xf32>, vector<1x2048xf32>, vector<320x1xf32> -> vector<320x1xf32>
    %add3A_34 = arith.addf %get3A_31, %dot_general3A_33 : vector<320x1xf32>
    %swap3A_35 = arith.constant 0 : index
    %swap3A_36 = arith.constant 0 : index
    %swap3A_37 = vector.load %arg7[%swap3A_35, %swap3A_36] : memref<320x2xf32, #tpu.memory_space<vmem>>, vector<320x1xf32>
    tpu.vector_store %arg7[%swap3A_35, %swap3A_36], %add3A_34 {strides = array<i32>} : memref<320x2xf32, #tpu.memory_space<vmem>>, vector<320x1xf32>,
    %slice3A_38 = vector.extract_strided_slice %convert_element_type3A_4 {offsets = [320, 0], sizes = [320, 2048], strides = [1, 1]} : vector<640x2048xf32> to vector<320x2048xf32>
    %reduce_max3A_39 = arith.constant dense<0xFF800000> : vector<2048xf32>
    %reduce_max3A_40 = vector.multi_reduction <maximumf>, %slice3A_38, %reduce_max3A_39 [0] : vector<320x2048xf32> to vector<2048xf32>
    %broadcast_in_dim3A_41 = vector.shape_cast %reduce_max3A_40 : vector<2048xf32> to vector<1x2048xf32>
    %sub3A_42 = vector.broadcast %broadcast_in_dim3A_41 : vector<1x2048xf32> to vector<320x2048xf32>
    %sub3A_43 = arith.subf %slice3A_38, %sub3A_42 : vector<320x2048xf32>
    %exp3A_44 = math.exp %sub3A_43 : vector<320x2048xf32>
    %reduce_sum3A_45 = arith.constant dense<0.000000e+00> : vector<2048xf32>
    %reduce_sum3A_46 = vector.multi_reduction <add>, %exp3A_44, %reduce_sum3A_45 [0] : vector<320x2048xf32> to vector<2048xf32>
    %broadcast_in_dim3A_47 = vector.shape_cast %reduce_sum3A_46 : vector<2048xf32> to vector<1x2048xf32>
    %div3A_48 = arith.constant 1.000000e+00 : f32
    %div3A_49 = vector.broadcast %div3A_48 : f32 to vector<1x2048xf32>
    %div3A_50 = arith.divf %div3A_49, %broadcast_in_dim3A_47 : vector<1x2048xf32>
    %get3A_51 = arith.constant 0 : index
    %get3A_52 = arith.constant 1 : index
    %get3A_53 = vector.load %arg6[%get3A_51, %get3A_52] : memref<320x2xf32, #tpu.memory_space<vmem>>, vector<320x1xf32>
    %dot_general3A_54 = arith.constant dense<0.000000e+00> : vector<320x1xf32>
    %dot_general3A_55 = tpu.matmul %exp3A_44, %div3A_50, %dot_general3A_54 {dimension_numbers = #tpu.dot_dimension_numbers<[1], [1], [0], [0], [0, 0, 1, 0], [], []>, transpose_lhs_hint = false} : vector<320x2048xf32>, vector<1x2048xf32>, vector<320x1xf32> -> vector<320x1xf32>
    %add3A_56 = arith.addf %get3A_53, %dot_general3A_55 : vector<320x1xf32>
    %swap3A_57 = arith.constant 0 : index
    %swap3A_58 = arith.constant 1 : index
    %swap3A_59 = vector.load %arg6[%swap3A_57, %swap3A_58] : memref<320x2xf32, #tpu.memory_space<vmem>>, vector<320x1xf32>
    tpu.vector_store %arg6[%swap3A_57, %swap3A_58], %add3A_56 {strides = array<i32>} : memref<320x2xf32, #tpu.memory_space<vmem>>, vector<320x1xf32>,
    %get3A_60 = arith.constant 0 : index
    %get3A_61 = arith.constant 0 : index
    %get3A_62 = vector.load %arg3[%get3A_60, %get3A_61] : memref<16x128xi32, #tpu.memory_space<vmem>>, vector<16x128xi32>
    %reshape3A_63 = vector.shape_cast %get3A_62 : vector<16x128xi32> to vector<1x2048xi32>
    %sub3A_64 = arith.constant 320 : i32
    %sub3A_65 = vector.broadcast %sub3A_64 : i32 to vector<1x2048xi32>
    %sub3A_66 = arith.subi %reshape3A_63, %sub3A_65 : vector<1x2048xi32>
    %eq3A_67 = vector.broadcast %sub3A_66 : vector<1x2048xi32> to vector<320x2048xi32>
    %eq3A_68 = arith.cmpi eq, %iota3A, %eq3A_67 : vector<320x2048xi32>
    %convert_element_type3A_69 = arith.extui %eq3A_68 : vector<320x2048xi1> to vector<320x2048xi32>
    %convert_element_type3A_70 = arith.sitofp %convert_element_type3A_69 : vector<320x2048xi32> to vector<320x2048xf32>
    %get3A_71 = arith.constant 0 : index
    %get3A_72 = arith.constant 1 : index
    %get3A_73 = vector.load %arg7[%get3A_71, %get3A_72] : memref<320x2xf32, #tpu.memory_space<vmem>>, vector<320x1xf32>
    %dot_general3A_74 = arith.constant dense<0.000000e+00> : vector<320x1xf32>
    %dot_general3A_75 = tpu.matmul %convert_element_type3A_70, %broadcast_in_dim3A_5, %dot_general3A_74 {dimension_numbers = #tpu.dot_dimension_numbers<[1], [1], [0], [0], [0, 0, 1, 0], [], []>, transpose_lhs_hint = false} : vector<320x2048xf32>, vector<1x2048xf32>, vector<320x1xf32> -> vector<320x1xf32>
    %add3A_76 = arith.addf %get3A_73, %dot_general3A_75 : vector<320x1xf32>
    %swap3A_77 = arith.constant 0 : index
    %swap3A_78 = arith.constant 1 : index
    %swap3A_79 = vector.load %arg7[%swap3A_77, %swap3A_78] : memref<320x2xf32, #tpu.memory_space<vmem>>, vector<320x1xf32>
    tpu.vector_store %arg7[%swap3A_77, %swap3A_78], %add3A_76 {strides = array<i32>} : memref<320x2xf32, #tpu.memory_space<vmem>>, vector<320x1xf32>,
    %eq3A_80 = arith.constant 3 : i32
    %eq3A_81 = arith.cmpi eq, %arg0, %eq3A_80 : i32
    %convert_element_type3A_82 = arith.extui %eq3A_81 : i1 to i32
    %cond3A_83 = arith.constant 0 : i32
    %cond3A_84 = arith.cmpi ne, %convert_element_type3A_82, %cond3A_83 : i32
    scf.if %cond3A_84 {
      %get3A_85 = arith.constant 0 : index
      %get3A_86 = arith.constant 0 : index
      %get3A_87 = vector.load %arg7[%get3A_85, %get3A_86] : memref<320x2xf32, #tpu.memory_space<vmem>>, vector<320x2xf32>
      %mul3A = arith.constant 1.22070313E-4 : f32
      %mul3A_88 = vector.broadcast %mul3A : f32 to vector<320x2xf32>
      %mul3A_89 = arith.mulf %get3A_87, %mul3A_88 : vector<320x2xf32>
      %add3A_90 = arith.constant 1.000000e-07 : f32
      %add3A_91 = vector.broadcast %add3A_90 : f32 to vector<320x2xf32>
      %add3A_92 = arith.addf %mul3A_89, %add3A_91 : vector<320x2xf32>
      %log3A = math.log %add3A_92 : vector<320x2xf32>
      %mul3A_93 = arith.mulf %mul3A_89, %log3A : vector<320x2xf32>
      %reduce_sum3A_94 = arith.constant dense<0.000000e+00> : vector<2xf32>
      %reduce_sum3A_95 = vector.multi_reduction <add>, %mul3A_93, %reduce_sum3A_94 [0] : vector<320x2xf32> to vector<2xf32>
      %broadcast_in_dim3A_96 = vector.shape_cast %reduce_sum3A_95 : vector<2xf32> to vector<1x2xf32>
      %neg3A = arith.constant 0.000000e+00 : f32
      %neg3A_97 = vector.broadcast %neg3A : f32 to vector<1x2xf32>
      %neg3A_98 = arith.subf %neg3A_97, %broadcast_in_dim3A_96 : vector<1x2xf32>
      %exp3A_99 = math.exp %neg3A_98 : vector<1x2xf32>
      %reduce_sum3A_100 = arith.constant dense<0.000000e+00> : vector<1xf32>
      %reduce_sum3A_101 = vector.multi_reduction <add>, %exp3A_99, %reduce_sum3A_100 [1] : vector<1x2xf32> to vector<1xf32>
      %broadcast_in_dim3A_102 = vector.shape_cast %reduce_sum3A_101 : vector<1xf32> to vector<1x1xf32>
      %swap3A_103 = arith.constant 0 : index
      %swap3A_104 = arith.constant 0 : index
      %swap3A_105 = vector.load %arg4[%swap3A_103, %swap3A_104] : memref<1x1xf32, #tpu.memory_space<vmem>>, vector<1x1xf32>
      tpu.vector_store %arg4[%swap3A_103, %swap3A_104], %broadcast_in_dim3A_102 {strides = array<i32>} : memref<1x1xf32, #tpu.memory_space<vmem>>, vector<1x1xf32>,
      %get3A_106 = arith.constant 0 : index
      %get3A_107 = arith.constant 0 : index
      %get3A_108 = vector.load %arg6[%get3A_106, %get3A_107] : memref<320x2xf32, #tpu.memory_space<vmem>>, vector<320x2xf32>
      %mul3A_109 = arith.constant 1.22070313E-4 : f32
      %mul3A_110 = vector.broadcast %mul3A_109 : f32 to vector<320x2xf32>
      %mul3A_111 = arith.mulf %get3A_108, %mul3A_110 : vector<320x2xf32>
      %add3A_112 = arith.constant 1.000000e-07 : f32
      %add3A_113 = vector.broadcast %add3A_112 : f32 to vector<320x2xf32>
      %add3A_114 = arith.addf %mul3A_111, %add3A_113 : vector<320x2xf32>
      %log3A_115 = math.log %add3A_114 : vector<320x2xf32>
      %mul3A_116 = arith.mulf %mul3A_111, %log3A_115 : vector<320x2xf32>
      %reduce_sum3A_117 = arith.constant dense<0.000000e+00> : vector<2xf32>
      %reduce_sum3A_118 = vector.multi_reduction <add>, %mul3A_116, %reduce_sum3A_117 [0] : vector<320x2xf32> to vector<2xf32>
      %broadcast_in_dim3A_119 = vector.shape_cast %reduce_sum3A_118 : vector<2xf32> to vector<1x2xf32>
      %neg3A_120 = arith.constant 0.000000e+00 : f32
      %neg3A_121 = vector.broadcast %neg3A_120 : f32 to vector<1x2xf32>
      %neg3A_122 = arith.subf %neg3A_121, %broadcast_in_dim3A_119 : vector<1x2xf32>
      %exp3A_123 = math.exp %neg3A_122 : vector<1x2xf32>
      %reduce_sum3A_124 = arith.constant dense<0.000000e+00> : vector<1xf32>
      %reduce_sum3A_125 = vector.multi_reduction <add>, %exp3A_123, %reduce_sum3A_124 [1] : vector<1x2xf32> to vector<1xf32>
      %broadcast_in_dim3A_126 = vector.shape_cast %reduce_sum3A_125 : vector<1xf32> to vector<1x1xf32>
      %swap3A_127 = arith.constant 0 : index
      %swap3A_128 = arith.constant 0 : index
      %swap3A_129 = vector.load %arg5[%swap3A_127, %swap3A_128] : memref<1x1xf32, #tpu.memory_space<vmem>>, vector<1x1xf32>
      tpu.vector_store %arg5[%swap3A_127, %swap3A_128], %broadcast_in_dim3A_126 {strides = array<i32>} : memref<1x1xf32, #tpu.memory_space<vmem>>, vector<1x1xf32>,
    } else {
    }
    return
  }
  func.func @transform_0(%arg0: i32) -> (i32, i32) {
    %c0_i32 = arith.constant 0 : i32
    %c0_i32_0 = arith.constant 0 : i32
    return %c0_i32, %arg0 : i32, i32
  }
  func.func @transform_1(%arg0: i32) -> (i32, i32) {
    %c0_i32 = arith.constant 0 : i32
    %c0_i32_0 = arith.constant 0 : i32
    return %arg0, %c0_i32 : i32, i32
  }
  func.func @transform_2(%arg0: i32) -> (i32, i32) {
    %c0_i32 = arith.constant 0 : i32
    %c0_i32_0 = arith.constant 0 : i32
    return %arg0, %c0_i32 : i32, i32
  }
  func.func @transform_3(%arg0: i32) -> (i32, i32) {
    %c0_i32 = arith.constant 0 : i32
    %c0_i32_0 = arith.constant 0 : i32
    %c0_i32_1 = arith.constant 0 : i32
    return %c0_i32, %c0_i32_0 : i32, i32
  }
  func.func @transform_4(%arg0: i32) -> (i32, i32) {
    %c0_i32 = arith.constant 0 : i32
    %c0_i32_0 = arith.constant 0 : i32
    %c0_i32_1 = arith.constant 0 : i32
    return %c0_i32, %c0_i32_0 : i32, i32
  }
}

module attributes {stable_mosaic.version = 14 : i64} {
  func.func @_proj_body(%arg0: i32, %arg1: memref<2048x768xf32, #tpu.memory_space<vmem>>, %arg2: memref<640x768xf32, #tpu.memory_space<vmem>>, %arg3: memref<640xf32, #tpu.memory_space<vmem>>, %arg4: memref<640x2048xbf16, #tpu.memory_space<vmem>>, %arg5: memref<16x128xi32, #tpu.memory_space<vmem>>, %arg6: memref<16x128xi32, #tpu.memory_space<vmem>>) attributes {dimension_semantics = [#tpu.dimension_semantics<parallel>], iteration_bounds = array<i64: 4>, scalar_prefetch = 0 : i64, scratch_operands = 0 : i64, tpu.core_type = #tpu.core_type<tc>, window_params = [{transform_indices = @transform_0, window_bounds = array<i64: 2048, 768>}, {pipeline_mode = #tpu.pipeline_mode<synchronous>, transform_indices = @transform_1, window_bounds = array<i64: 640, 768>}, {pipeline_mode = #tpu.pipeline_mode<synchronous>, transform_indices = @transform_2, window_bounds = array<i64: 640>}, {transform_indices = @transform_3, window_bounds = array<i64: 640, 2048>}, {transform_indices = @transform_4, window_bounds = array<i64: 16, 128>}, {transform_indices = @transform_5, window_bounds = array<i64: 16, 128>}]} {
    %get3A = arith.constant 0 : index
    %get3A_0 = arith.constant 0 : index
    %get3A_1 = vector.load %arg2[%get3A, %get3A_0] : memref<640x768xf32, #tpu.memory_space<vmem>>, vector<640x768xf32>
    %get3A_2 = arith.constant 0 : index
    %get3A_3 = arith.constant 0 : index
    %get3A_4 = vector.load %arg1[%get3A_2, %get3A_3] : memref<2048x768xf32, #tpu.memory_space<vmem>>, vector<2048x768xf32>
    %dot_general3A = arith.constant dense<0.000000e+00> : vector<640x2048xf32>
    %dot_general3A_5 = tpu.matmul %get3A_1, %get3A_4, %dot_general3A {dimension_numbers = #tpu.dot_dimension_numbers<[1], [1], [0], [0], [0, 0, 1, 0], [], []>, transpose_lhs_hint = false} : vector<640x768xf32>, vector<2048x768xf32>, vector<640x2048xf32> -> vector<640x2048xf32>
    %get3A_6 = arith.constant 0 : index
    %get3A_7 = vector.load %arg3[%get3A_6] : memref<640xf32, #tpu.memory_space<vmem>>, vector<640xf32>
    %reshape3A = vector.shape_cast %get3A_7 : vector<640xf32> to vector<1x640xf32>
    %transpose3A = tpu.transpose %reshape3A, [1, 0] : vector<1x640xf32> -> vector<640x1xf32>
    %add3A = vector.broadcast %transpose3A : vector<640x1xf32> to vector<640x2048xf32>
    %add3A_8 = arith.addf %dot_general3A_5, %add3A : vector<640x2048xf32>
    %convert_element_type3A = arith.truncf %add3A_8 : vector<640x2048xf32> to vector<640x2048xbf16>
    %swap3A = arith.constant 0 : index
    %swap3A_9 = arith.constant 0 : index
    %swap3A_10 = vector.load %arg4[%swap3A, %swap3A_9] : memref<640x2048xbf16, #tpu.memory_space<vmem>>, vector<640x2048xbf16>
    tpu.vector_store %arg4[%swap3A, %swap3A_9], %convert_element_type3A {strides = array<i32>} : memref<640x2048xbf16, #tpu.memory_space<vmem>>, vector<640x2048xbf16>,
    %iota3A = tpu.iota {dimensions = array<i32: 0>} : vector<320x2048xi32>
    %slice3A = vector.extract_strided_slice %add3A_8 {offsets = [0, 0], sizes = [320, 2048], strides = [1, 1]} : vector<640x2048xf32> to vector<320x2048xf32>
    %reduce_max3A = arith.constant dense<0xFF800000> : vector<2048xf32>
    %reduce_max3A_11 = vector.multi_reduction <maximumf>, %slice3A, %reduce_max3A [0] : vector<320x2048xf32> to vector<2048xf32>
    %broadcast_in_dim3A = vector.shape_cast %reduce_max3A_11 : vector<2048xf32> to vector<1x2048xf32>
    %eq3A = vector.broadcast %broadcast_in_dim3A : vector<1x2048xf32> to vector<320x2048xf32>
    %eq3A_12 = arith.cmpf oeq, %slice3A, %eq3A : vector<320x2048xf32>
    %jit3A = arith.constant 320 : i32
    %broadcast_in_dim3A_13 = vector.broadcast %jit3A : i32 to vector<320x2048xi32>
    %select_n3A = arith.select %eq3A_12, %iota3A, %broadcast_in_dim3A_13 : vector<320x2048xi1>, vector<320x2048xi32>
    %reduce_min3A = arith.constant dense<2147483647> : vector<2048xi32>
    %reduce_min3A_14 = vector.multi_reduction <minsi>, %select_n3A, %reduce_min3A [0] : vector<320x2048xi32> to vector<2048xi32>
    %broadcast_in_dim3A_15 = vector.shape_cast %reduce_min3A_14 : vector<2048xi32> to vector<1x2048xi32>
    %add3A_16 = arith.constant 0 : i32
    %add3A_17 = vector.broadcast %add3A_16 : i32 to vector<1x2048xi32>
    %add3A_18 = arith.addi %broadcast_in_dim3A_15, %add3A_17 : vector<1x2048xi32>
    %reshape3A_19 = vector.shape_cast %add3A_18 : vector<1x2048xi32> to vector<16x128xi32>
    %swap3A_20 = arith.constant 0 : index
    %swap3A_21 = arith.constant 0 : index
    %swap3A_22 = vector.load %arg5[%swap3A_20, %swap3A_21] : memref<16x128xi32, #tpu.memory_space<vmem>>, vector<16x128xi32>
    tpu.vector_store %arg5[%swap3A_20, %swap3A_21], %reshape3A_19 {strides = array<i32>} : memref<16x128xi32, #tpu.memory_space<vmem>>, vector<16x128xi32>,
    %slice3A_23 = vector.extract_strided_slice %add3A_8 {offsets = [320, 0], sizes = [320, 2048], strides = [1, 1]} : vector<640x2048xf32> to vector<320x2048xf32>
    %reduce_max3A_24 = arith.constant dense<0xFF800000> : vector<2048xf32>
    %reduce_max3A_25 = vector.multi_reduction <maximumf>, %slice3A_23, %reduce_max3A_24 [0] : vector<320x2048xf32> to vector<2048xf32>
    %broadcast_in_dim3A_26 = vector.shape_cast %reduce_max3A_25 : vector<2048xf32> to vector<1x2048xf32>
    %eq3A_27 = vector.broadcast %broadcast_in_dim3A_26 : vector<1x2048xf32> to vector<320x2048xf32>
    %eq3A_28 = arith.cmpf oeq, %slice3A_23, %eq3A_27 : vector<320x2048xf32>
    %jit3A_29 = arith.constant 320 : i32
    %broadcast_in_dim3A_30 = vector.broadcast %jit3A_29 : i32 to vector<320x2048xi32>
    %select_n3A_31 = arith.select %eq3A_28, %iota3A, %broadcast_in_dim3A_30 : vector<320x2048xi1>, vector<320x2048xi32>
    %reduce_min3A_32 = arith.constant dense<2147483647> : vector<2048xi32>
    %reduce_min3A_33 = vector.multi_reduction <minsi>, %select_n3A_31, %reduce_min3A_32 [0] : vector<320x2048xi32> to vector<2048xi32>
    %broadcast_in_dim3A_34 = vector.shape_cast %reduce_min3A_33 : vector<2048xi32> to vector<1x2048xi32>
    %add3A_35 = arith.constant 320 : i32
    %add3A_36 = vector.broadcast %add3A_35 : i32 to vector<1x2048xi32>
    %add3A_37 = arith.addi %broadcast_in_dim3A_34, %add3A_36 : vector<1x2048xi32>
    %reshape3A_38 = vector.shape_cast %add3A_37 : vector<1x2048xi32> to vector<16x128xi32>
    %swap3A_39 = arith.constant 0 : index
    %swap3A_40 = arith.constant 0 : index
    %swap3A_41 = vector.load %arg6[%swap3A_39, %swap3A_40] : memref<16x128xi32, #tpu.memory_space<vmem>>, vector<16x128xi32>
    tpu.vector_store %arg6[%swap3A_39, %swap3A_40], %reshape3A_38 {strides = array<i32>} : memref<16x128xi32, #tpu.memory_space<vmem>>, vector<16x128xi32>,
    return
  }
  func.func @transform_0(%arg0: i32) -> (i32, i32) {
    %c0_i32 = arith.constant 0 : i32
    %c0_i32_0 = arith.constant 0 : i32
    return %arg0, %c0_i32 : i32, i32
  }
  func.func @transform_1(%arg0: i32) -> (i32, i32) {
    %c0_i32 = arith.constant 0 : i32
    %c0_i32_0 = arith.constant 0 : i32
    %c0_i32_1 = arith.constant 0 : i32
    return %c0_i32, %c0_i32_0 : i32, i32
  }
  func.func @transform_2(%arg0: i32) -> i32 {
    %c0_i32 = arith.constant 0 : i32
    %c0_i32_0 = arith.constant 0 : i32
    return %c0_i32 : i32
  }
  func.func @transform_3(%arg0: i32) -> (i32, i32) {
    %c0_i32 = arith.constant 0 : i32
    %c0_i32_0 = arith.constant 0 : i32
    return %c0_i32, %arg0 : i32, i32
  }
  func.func @transform_4(%arg0: i32) -> (i32, i32) {
    %c0_i32 = arith.constant 0 : i32
    %c0_i32_0 = arith.constant 0 : i32
    return %arg0, %c0_i32 : i32, i32
  }
  func.func @transform_5(%arg0: i32) -> (i32, i32) {
    %c0_i32 = arith.constant 0 : i32
    %c0_i32_0 = arith.constant 0 : i32
    return %arg0, %c0_i32 : i32, i32
  }
}

</mosaic_0001>

<sc_bundles>
// kernel: kernel.5.cloned.1.call-start
scs
__scs_entry_jumppad:
0x0: {  	(pc) =	sbr.rel $0x88, $3  }
0x1: {  	(tag) =	ssettag $0x0;
	lr =	simm.s32 $0x1  }
0x2: {  	[smem:$0x3F9D] =	sst lr;
	_ =	strace $0xD0000000  }
0x3: {  	_ = 	snop  }
0x4: {  	_ = 	snop  }
0x5: {  	_ = 	snop  }
0x6: {  	_ = 	snop  }
0x7: {  	_ = 	snop  }
__scs_overlays_trampoline_lowered:
0x8: {  	[smem:$0x3FAC] =	sst s0  }
0x9: {  	[smem:$0x3FAD] =	sst s1  }
0xa: {  	[smem:$0x3FAE] =	sst s2  }
0xb: {  	[smem:$0x3FAF] =	sst s3  }
0xc: {  	[smem:$0x3FB0] =	sst s4  }
0xd: {  	[smem:$0x3FB1] =	sst s5  }
0xe: {  	[smem:$0x3FB2] =	sst s6  }
0xf: {  	[smem:$0x3FB3] =	sst s7  }
0x10: {  	[smem:$0x3FB4] =	sst s8  }
0x11: {  	[smem:$0x3FB5] =	sst s9;
	s0 =	simm.s32 @!p0 $0x0  }
0x12: {  	s1 =	sld [smem:$0x3F9B];
	s0 =	simm.s32 @p0 $0x1  }
0x13: {  	[smem:$0x3FB6] =	sst s0;
	s0 =	simm.s32 @!p1 $0x0  }
0x14: {  	s2 =	sld [smem:$0x3F9A];
	s0 =	simm.s32 @p1 $0x1  }
0x15: {  	[smem:$0x3FB7] =	sst s0;
	s0 =	simm.s32 @!p2 $0x0  }
0x16: {  	s3 =	sld [smem:$0x3FDB];
	s0 =	simm.s32 @p2 $0x1  }
0x17: {  	s4 =	simm.s32 $0x1BF5;
	[smem:$0x3FB9] =	sst s0  }
0x18: {  	s0 =	sld [smem:$0x3F9C];
	_ =	swait.ge [sflag:s4], $0x0  }
0x19: {  	s7 =	sld [smem:$0x3F9D]  }
0x1a: {  	s8 =	sadd.s32 $0xFFFFE003, lr  }
0x1b: {  	s9 =	sadd.s32 $0xFFFFFEF7, lr;
	s5 =	simm.s32 $0xFFFFFFFF;
	p2 =	slt.u32 s8, $0xFFFFF086  }
0x1c: {  	p1 =	slt.u32 s9, $0xF7A;
	s5 =	simm.s32 @!p2 $0x0  }
0x1d: {  	s5 =	simm.s32 @p1 $0x1;
	p0 =	seq.s32 s7, s2  }
0x1e: {  	s7 =	smul.u32 @!p0 $0xF7A, s2;
	p2 =	seq.s32 @!p0 s5, $0x0  }
0x1f: {  	s9 =	smul.u32 $0xF7A, s1;
	s8 =	simm.s32 @!p0 $0x1BF5;
	p2 =	por !p2, p0  }
0x20: {  	[sflag:s8] =	ssyncset.s32 @!p0 $0xFFFFF086;
	s6 =	sadd.s32 @!p0 s3, s7;
	s7 =	simm.s32 @!p0 $0x108  }
0x21: {  	s3 =	sadd.s32 s3, s9;
	s6 =	sadd.s32 @!p0 $0x88, s6;
	s7 =	simm.s32 @p2 $0x1082  }
0x22: {  	[simem:s7], [sflag:s8] =	dma.local @!p0 [hbm:s6], $0xF7A  }
0x23: {  	s9 =	sor.u32 $0xD0000000, s2;
	s6 =	simm.s32 $0x108;
	_ =	swait.ge @!p0 [sflag:s8], $0x0  }
0x24: {  	s3 =	sadd.s32 $0x88, s3;
	s6 =	simm.s32 @!p1 $0x1082;
	[sflag:s4] =	ssyncset.s32 $0xFFFFF086  }
0x25: {  	[simem:s6], [sflag:s4] =	dma.local [hbm:s3], $0xF7A  }
0x26: {  	[smem:$0x3F9D] =	sst s1;
	(tag) =	ssettag s2;
	_ =	strace s9  }
0x27: {  	s1 =	sld [smem:$0x3FAD]  }
0x28: {  	s2 =	sld [smem:$0x3FAE]  }
0x29: {  	s4 =	sld [smem:$0x3FB0]  }
0x2a: {  	p0 =	seq.s32 s5, $0x0;
	s5 =	sld [smem:$0x3FB1]  }
0x2b: {  	s6 =	sld [smem:$0x3FB2]  }
0x2c: {  	s7 =	sld [smem:$0x3FB3]  }
0x2d: {  	s3 =	simm.s32 $0x108;
	s8 =	sld [smem:$0x3FB4]  }
0x2e: {  	s3 =	simm.s32 @!p0 $0x1082;
	s9 =	sld [smem:$0x3FB5]  }
0x2f: {  	lr =	sadd.s32 s0, s3;
	s0 =	sld [smem:$0x3FAC]  }
0x30: {  	s3 =	sld [smem:$0x3FAF]  }
0x31: {  	[smem:$0x3FB8] =	sst s10  }
0x32: {  	s10 =	sld [smem:$0x3FB6];
	_ =	sdelay $0x3  }
0x33: {  	p0 =	seq.s32 s10, $0x1;
	s10 =	sld [smem:$0x3FB8];
	_ =	sdelay $0x3  }
0x34: {  	[smem:$0x3FB8] =	sst s10  }
0x35: {  	s10 =	sld [smem:$0x3FB7];
	_ =	sdelay $0x3  }
0x36: {  	p1 =	seq.s32 s10, $0x1;
	s10 =	sld [smem:$0x3FB8];
	_ =	sdelay $0x3  }
0x37: {  	[smem:$0x3FB8] =	sst s10  }
0x38: {  	s10 =	sld [smem:$0x3FB9]  }
0x39: {  	_ = 	snop;
	(pc) =	sbr.ind lr, $3  }
0x3a: {  	_ = 	snop  }
0x3b: {  	_ = 	snop  }
0x3c: {  	p2 =	seq.s32 s10, $0x1;
	s10 =	sld [smem:$0x3FB8]  }
0x3d: {  	_ =	shalt  }
0x3e: {  	_ =	shalt  }
0x3f: {  	_ =	shalt  }
0x40: {  	_ =	shalt  }
0x41: {  	_ =	shalt  }
0x42: {  	_ =	shalt  }
0x43: {  	_ =	shalt  }
0x44: {  	_ =	shalt  }
0x45: {  	_ =	shalt  }
0x46: {  	_ =	shalt  }
0x47: {  	_ =	shalt  }
0x48: {  	_ =	shalt  }
0x49: {  	_ =	shalt  }
0x4a: {  	_ =	shalt  }
0x4b: {  	_ =	shalt  }
0x4c: {  	_ =	shalt  }
0x4d: {  	_ =	shalt  }
0x4e: {  	_ =	shalt  }
0x4f: {  	_ =	shalt  }
0x50: {  	_ =	shalt  }
0x51: {  	_ =	shalt  }
0x52: {  	_ =	shalt  }
0x53: {  	_ =	shalt  }
0x54: {  	_ =	shalt  }
0x55: {  	_ =	shalt  }
0x56: {  	_ =	shalt  }
0x57: {  	_ =	shalt  }
0x58: {  	_ =	shalt  }
0x59: {  	_ =	shalt  }
0x5a: {  	_ =	shalt  }
0x5b: {  	_ =	shalt  }
0x5c: {  	_ =	shalt  }
0x5d: {  	_ =	shalt  }
0x5e: {  	_ =	shalt  }
0x5f: {  	_ =	shalt  }
0x60: {  	_ =	shalt  }
0x61: {  	_ =	shalt  }
0x62: {  	_ =	shalt  }
0x63: {  	_ =	shalt  }
0x64: {  	_ =	shalt  }
0x65: {  	_ =	shalt  }
0x66: {  	_ =	shalt  }
0x67: {  	_ =	shalt  }
0x68: {  	_ =	shalt  }
0x69: {  	_ =	shalt  }
0x6a: {  	_ =	shalt  }
0x6b: {  	_ =	shalt  }
0x6c: {  	_ =	shalt  }
0x6d: {  	_ =	shalt  }
0x6e: {  	_ =	shalt  }
0x6f: {  	_ =	shalt  }
0x70: {  	_ =	shalt  }
0x71: {  	_ =	shalt  }
0x72: {  	_ =	shalt  }
0x73: {  	_ =	shalt  }
0x74: {  	_ =	shalt  }
0x75: {  	_ =	shalt  }
0x76: {  	_ =	shalt  }
0x77: {  	_ =	shalt  }
0x78: {  	_ =	shalt  }
0x79: {  	_ =	shalt  }
0x7a: {  	_ =	shalt  }
0x7b: {  	_ =	shalt  }
0x7c: {  	_ =	shalt  }
0x7d: {  	_ =	shalt  }
0x7e: {  	_ =	shalt  }
0x7f: {  	_ =	shalt  }
0x80: {  	_ =	shalt  }
0x81: {  	_ =	shalt  }
0x82: {  	_ =	shalt  }
0x83: {  	_ =	shalt  }
0x84: {  	_ =	shalt  }
0x85: {  	_ =	shalt  }
0x86: {  	_ =	shalt  }
0x87: {  	_ =	shalt  }
.Lfunc_end0:
.L_simem_size_0:
called_computation_lowered:
.L_overlay_start_0:
0x88: {  	s2 =	sld [smem:$0x3FD9]  }
0x89: {  	s3 =	sld [smem:$0x3FFE];
	_ =	sdelay $0x1  }
0x8a: {  	s1 =	srdreg.scid  }
0x8b: {  	s0 =	sand.u32 $0x1, s1  }
0x8c: {  	s14 =	sshll.u32 s0, $0xA;
	s2 =	sadd.s32 s3, s2  }
0x8d: {  	s2 =	sadd.s32 s2, s14  }
0x8e: {  	[smem:$0x3FC4] =	sst s2  }
0x8f: {  	_ = 	snop  }
0x90: {  	s2 =	sld [smem:$0x3FD0];
	_ =	sdelay $0x2  }
0x91: {  	s4 =	simm.s32 $0xA;
	s5 =	simm.s32 $0x10;
	s15 =	sld [smem:$0x3FC8]  }
0x92: {  	[smem:s5], [sflag:s4] =	dma.local [hbm:s2], $0x1  }
0x93: {  	_ =	swait.eq [sflag:s4], $0x1  }
0x94: {  	[sflag:s4] =	ssyncset.done $0x0  }
0x95: {  	[sflag:s4] =	ssyncadd.s32 $0xFFFFFFFF  }
0x96: {  	s16 =	sld [smem:$0x10];
	(tm) =	ssettm $0x1  }
0x97: {  	s17 =	sld [smem:$0x3FFB];
	_ =	sdelay $0x3  }
0x98: {  	_ =	strace s17  }
0x99: {  	s4 =	sld [smem:$0x3FFC];
	_ =	sdelay $0x3  }
0x9a: {  	_ =	strace s4  }
0x9b: {  	s4 =	sld [smem:$0x3FFD];
	_ =	sdelay $0x3  }
0x9c: {  	_ =	strace s4  }
0x9d: {  	_ =	strace $0x8FFFFFFF  }
0x9e: {  	s18 =	sld [smem:$0x3FDB];
	_ =	sdelay $0x1  }
0x9f: {  	s19 =	simm.s32 $_scs_section_size  }
0xa0: {  	s6 =	simm.s32 $_size__tile_overlayer_lowered;
	s7 =	simm.s32 $_tile_overlayer_lowered  }
0xa1: {  	s22 =	simm.s32 $0x1BFF;
	s21 =	sshll.u32 s7, $0x1;
	s4 =	sadd.s32 s19, s18  }
0xa2: {  	s8 =	simm.s32 $0x0;
	s20 =	sshll.u32 s6, $0x1;
	s6 =	sadd.s32 s21, s4  }
0xa3: {  	[timem:s8], [sflag:s22] =	dma.local [hbm:s6], s20  }
0xa4: {  	_ =	swait.ge [sflag:s22], s20  }
0xa5: {  	s5 =	ssub.s32 $0x0, s20;
	[sflag:s22] =	ssyncset.done $0x0  }
0xa6: {  	[sflag:s22] =	ssyncadd.s32 s5;
	_ =	sdelay $0x1  }
0xa7: {  	s23 =	simm.s32 $0x1B8B  }
0xa8: {  	_ =	swait.ge [sflag:s23], $0x1  }
0xa9: {  	[sflag:s23] =	ssyncset.done $0x0  }
0xaa: {  	s25 =	simm.s32 $0x1B8E;
	s24 =	sld [smem:$0x3FFE];
	[sflag:s23] =	ssyncadd.s32 $0xFFFFFFFF  }
0xab: {  	s26 =	simm.s32 $execute0_lowered;
	[smem:$0x3FD2] =	sst s25  }
0xac: {  	s6 =	sshll.u32 s26, $0x1;
	_ =	strace $0x80000046;
	[dreg:$0x1] =	wrdreg $0xFFFFFFFF  }
0xad: {  	s28 =	simm.s32 $_size_execute0_lowered;
	s4 =	sadd.s32 s4, s6;
	[dreg:$0x0] =	wrdreg $0x0  }
0xae: {  	s6 =	sshll.u32 s28, $0x1;
	[dreg:$0x2] =	wrdreg s4  }
0xaf: {  	[dreg:$0x3] =	wrdreg s6  }
0xb0: {  	[dreg:$0x4] =	wrdreg $0xC0  }
0xb1: {  	_ =	task [dreg:s8], $0x5FFFF  }
0xb2: {  	[dreg:$0x1] =	wrdreg $0xFFFFFFFF  }
0xb3: {  	[dreg:$0x0] =	wrdreg $0x60  }
0xb4: {  	[dreg:$0x2] =	wrdreg s15  }
0xb5: {  	[dreg:$0x3] =	wrdreg s24  }
0xb6: {  	[dreg:$0x4] =	wrdreg s16  }
0xb7: {  	[dreg:$0x5] =	wrdreg $0x9  }
0xb8: {  	_ =	task.clear_ibuf [dreg:s8], $0x6FFFF;
	_ =	strace $0x90000046  }
0xb9: {  	s29 =	simm.s32 $0x9;
	_ =	strace $0x80000048  }
0xba: {  	_ =	swait.ge [sflag:s29], $0x1  }
0xbb: {  	[sflag:s29] =	ssyncadd.s32 $0xFFFFFFFF  }
0xbc: {  	_ =	strace $0x90000048  }
0xbd: {  	_ =	sfence  }
0xbe: {  	s30 =	sld [smem:$0x0];
	_ =	sdelay $0x2  }
0xbf: {  	s31 =	sshll.u32 s1, $0xD;
	s1 =	sshrl.u32 s1, $0x2  }
0xc0: {  	s3 =	sand.u32 $0x4000, s31;
	s1 =	sadd.s32 s1, s30  }
0xc1: {  	s0 =	sor.u32 s3, s0;
	s1 =	sshll.u32 s1, $0x11  }
0xc2: {  	s0 =	sor.u32 s1, s0  }
0xc3: {  	s0 =	sadd.s32 $0x8F2B, s0  }
0xc4: {  	[sflag:s0] =	ssyncadd.remote.s32 $0x1  }
0xc5: {  	_ =	sfence.sel $0xFFFF  }
0xc6: {  	[dreg:$0x0] =	wrdreg $0xFFFFFFFF;
	(pc) =	sbr.abs _section_cstart, $3  }
0xc7: {  	[dreg:$0x1] =	wrdreg $0xFFFFFFFF  }
0xc8: {  	_ =	task.clear_ibuf [dreg:s8], $0x2FFFF;
	_ =	strace $0x9FFFFFFF  }
0xc9: {  	(tm) =	ssettm $0x7FFFFFFF  }
tec
execute0_lowered:
.L_overlay_start_1:
0x0: {  	(tag) =	ssettag $0x1  }
0x1: {  	s1 =	rddreg [dreg:$0x0]  }
0x2: {  	s2 =	srdreg.scid;
	s0 =	stileid.u32  }
0x3: {  	s4 =	rddreg [dreg:$0x1];
	s15 =	sand.u32 $0x1, s2;
	s31 =	sshll.u32 s0, $0x1  }
0x4: {  	s16 =	rddreg [dreg:$0x2];
	s17 =	sor.u32 s15, s31  }
0x5: {  	s3 =	simm.s32 $0x0;
	s2 =	rddreg [dreg:$0x3];
	s5 =	sshll.u32 s17, $0x5  }
0x6: {  	[smem:$0x7FF] =	sst s3;
	s6 =	sadd.s32 s5, s4  }
0x7: {  	_ =	strace $0x80000047;
	s4 =	simm.s32 $0x2;
	s5 =	sadd.s32 $0x1400, s6  }
0x8: {  	[tilespmem:s3], [sflag:$0x2] =	stream.linear.gather [hbm4b:s5+s3], $0x100, $0x38;
	[tilespmem:$0x10200] =	vst v63  }
0x9: {  	_ =	swait.ge [sflag:s4], $0x100  }
0xa: {  	[sflag:s4] =	ssyncset.done $0x0  }
0xb: {  	s7 =	simm.s32 $0x100;
	s6 =	sadd.s32 $0x1800, s6;
	[sflag:s4] =	ssyncadd.s32 $0xFFFFFF00  }
0xc: {  	[tilespmem:s7], [sflag:$0x2] =	stream.linear.gather [hbm4b:s6+s3], $0x100, $0x38;
	[tilespmem:$0x10200] =	vst v63  }
0xd: {  	_ =	swait.ge [sflag:s4], $0x100  }
0xe: {  	[sflag:s4] =	ssyncset.done $0x0  }
0xf: {  	s8 =	simm.s32 $0x80;
	s9 =	simm.s32 $0x200;
	[sflag:s4] =	ssyncadd.s32 $0xFFFFFF00  }
0x10: {  	[tilespmem:s9], [sflag:$0x1] =	stream.indirect.gather [hbm4b:s1+s8], $0x80, s3, s8, $0xb8;
	[tilespmem:$0x10200] =	vst v63  }
0x11: {  	s10 =	simm.s32 $0x4200  }
0x12: {  	[tilespmem:s10], [sflag:$0x1] =	stream.indirect.gather [hbm4b:s1+s8], $0x80, s8, s8, $0xb8;
	[tilespmem:$0x10200] =	vst v63  }
0x13: {  	s11 =	simm.s32 $0x8200  }
0x14: {  	[tilespmem:s11], [sflag:$0x1] =	stream.indirect.gather [hbm4b:s1+s8], $0x80, s7, s8, $0xb8;
	[tilespmem:$0x10200] =	vst v63  }
0x15: {  	s12 =	simm.s32 $0x180;
	s13 =	simm.s32 $0xC200;
	s14 =	simm.s32 $0x1  }
0x16: {  	[tilespmem:s13], [sflag:$0x1] =	stream.indirect.gather [hbm4b:s1+s8], $0x80, s12, s8, $0xb8;
	[tilespmem:$0x10200] =	vst v63  }
0x17: {  	_ =	swait.ge [sflag:s14], $0x4000  }
0x18: {  	[sflag:s14] =	ssyncset.done $0x0  }
0x19: {  	[sflag:s14] =	ssyncadd.s32 $0xFFFFC000  }
0x1a: {  	_ =	swait.ge [sflag:s14], $0x4000  }
0x1b: {  	[sflag:s14] =	ssyncset.done $0x0  }
0x1c: {  	[sflag:s14] =	ssyncadd.s32 $0xFFFFC000  }
0x1d: {  	_ =	swait.ge [sflag:s14], $0x4000  }
0x1e: {  	[sflag:s14] =	ssyncset.done $0x0  }
0x1f: {  	s18 =	ssub.s32 $0x2, s15;
	s17 =	sshll.u32 s17, $0xD;
	[sflag:s14] =	ssyncadd.s32 $0xFFFFC000  }
0x20: {  	s19 =	sshrl.u32 s18, $0x1;
	s15 =	sadd.s32 s16, s17;
	_ =	swait.ge [sflag:s14], $0x4000  }
0x21: {  	s16 =	simm.s32 $0x400;
	s19 =	ssub.s32 s18, s19;
	[sflag:s14] =	ssyncset.done $0x0  }
0x22: {  	s17 =	simm.s32 $0x800;
	s19 =	smax.u32 s19, $0x1;
	[sflag:s14] =	ssyncadd.s32 $0xFFFFC000  }
0x23: {  	[hbm4b:s15+s16] =	stream.strided.scatter [tilespmem:s9], [sflag:$0x2], $0x8000, s17, s16, $0x38;
	[tilespmem:$0x10200] =	vst v63  }
0x24: {  	p0 =	sne.s32 s19, $0x1;
	_ =	swait.ge [sflag:s4], $0x8000  }
.Ltmp0:
0x25: {  	[sflag:s4] =	ssyncset.done $0x0;
	(pc) =	sbr.rel @!p0 .LBB2_2-.Ltmp0, $4  }
0x26: {  	s18 =	sadd.s32 $0x80, s15;
	[sflag:s4] =	ssyncadd.s32 $0xFFFF8000  }
0x27: {  	[hbm4b:s18+s16] =	stream.strided.scatter [tilespmem:s11], [sflag:$0x2], $0x8000, s17, s16, $0x38;
	[tilespmem:$0x10200] =	vst v63  }
0x28: {  	_ =	swait.ge [sflag:s4], $0x8000  }
0x29: {  	s19 =	sadd.s32 $0xFFFFFFFF, s19;
	[sflag:s4] =	ssyncset.done $0x0  }
.LBB2_1:
0x2a: {  	p0 =	sne.s32 s19, $0x1;
	s19 =	sadd.s32 $0xFFFFFFFF, s19;
	[sflag:s4] =	ssyncadd.s32 $0xFFFF8000  }
0x2b: {  	[tilespmem:s3], [sflag:$0x2] =	stream.linear.gather [hbm4b:s5+s3], $0x100, $0x38;
	[tilespmem:$0x10200] =	vst v63  }
0x2c: {  	_ =	swait.ge [sflag:s4], $0x100  }
0x2d: {  	[sflag:s4] =	ssyncset.done $0x0  }
0x2e: {  	[sflag:s4] =	ssyncadd.s32 $0xFFFFFF00  }
0x2f: {  	[tilespmem:s7], [sflag:$0x2] =	stream.linear.gather [hbm4b:s6+s3], $0x100, $0x38;
	[tilespmem:$0x10200] =	vst v63  }
0x30: {  	_ =	swait.ge [sflag:s4], $0x100  }
0x31: {  	[sflag:s4] =	ssyncset.done $0x0  }
0x32: {  	[sflag:s4] =	ssyncadd.s32 $0xFFFFFF00  }
0x33: {  	[tilespmem:s9], [sflag:$0x1] =	stream.indirect.gather [hbm4b:s1+s8], $0x80, s3, s8, $0xb8;
	[tilespmem:$0x10200] =	vst v63  }
0x34: {  	_ = 	snop  }
0x35: {  	[tilespmem:s10], [sflag:$0x1] =	stream.indirect.gather [hbm4b:s1+s8], $0x80, s8, s8, $0xb8;
	[tilespmem:$0x10200] =	vst v63  }
0x36: {  	_ = 	snop  }
0x37: {  	[tilespmem:s11], [sflag:$0x1] =	stream.indirect.gather [hbm4b:s1+s8], $0x80, s7, s8, $0xb8;
	[tilespmem:$0x10200] =	vst v63  }
0x38: {  	_ = 	snop  }
0x39: {  	[tilespmem:s13], [sflag:$0x1] =	stream.indirect.gather [hbm4b:s1+s8], $0x80, s12, s8, $0xb8;
	[tilespmem:$0x10200] =	vst v63  }
0x3a: {  	_ =	swait.ge [sflag:s14], $0x4000  }
0x3b: {  	[sflag:s14] =	ssyncset.done $0x0  }
0x3c: {  	[sflag:s14] =	ssyncadd.s32 $0xFFFFC000  }
0x3d: {  	_ =	swait.ge [sflag:s14], $0x4000  }
0x3e: {  	[sflag:s14] =	ssyncset.done $0x0  }
0x3f: {  	[sflag:s14] =	ssyncadd.s32 $0xFFFFC000  }
0x40: {  	_ =	swait.ge [sflag:s14], $0x4000  }
0x41: {  	[sflag:s14] =	ssyncset.done $0x0  }
0x42: {  	[sflag:s14] =	ssyncadd.s32 $0xFFFFC000  }
0x43: {  	_ =	swait.ge [sflag:s14], $0x4000  }
0x44: {  	[sflag:s14] =	ssyncset.done $0x0  }
0x45: {  	[sflag:s14] =	ssyncadd.s32 $0xFFFFC000  }
0x46: {  	[hbm4b:s15+s16] =	stream.strided.scatter [tilespmem:s9], [sflag:$0x2], $0x8000, s17, s16, $0x38;
	[tilespmem:$0x10200] =	vst v63  }
0x47: {  	_ =	swait.ge [sflag:s4], $0x8000  }
.Ltmp1:
0x48: {  	[sflag:s4] =	ssyncset.done $0x0;
	(pc) =	sbr.rel @p0 .LBB2_1-.Ltmp1, $4  }
0x49: {  	[sflag:s4] =	ssyncadd.s32 $0xFFFF8000  }
0x4a: {  	[hbm4b:s18+s16] =	stream.strided.scatter [tilespmem:s11], [sflag:$0x2], $0x8000, s17, s16, $0x38;
	[tilespmem:$0x10200] =	vst v63  }
0x4b: {  	_ =	swait.ge [sflag:s4], $0x8000  }
0x4c: {  	[sflag:s4] =	ssyncset.done $0x0  }
.LBB2_2:
0x4d: {  	[sflag:s4] =	ssyncadd.s32 $0xFFFF8000  }
0x4e: {  	_ =	sfence.sel $0x180000  }
0x4f: {  	[bflag:$0x0] =	sbarrier.arrive $0xFFFF  }
0x50: {  	p0 =	sne.s32 s0, $0x0;
	_ =	strace $0x90000047  }
0x51: {  	s0 =	sadd.s32 @!p0 $0x100000, s2;
	[bflag:$0x2] =	sbarrier.arrive $0xFFFF  }
0x52: {  	[sflag:s0] =	ssyncadd.tile.s32 @!p0 $0x1;
	_ =	shalt  }
.Lfunc_end2:
_tile_overlayer_lowered:
.L_overlay_start_2:
0x53: {  	(tag) =	ssettag $0x2  }
0x54: {  	s0 =	rddreg [dreg:$0x0];
	s2 =	stileid.u32  }
0x55: {  	s1 =	rddreg [dreg:$0x1];
	p0 =	sne.s32 s2, $0x0  }
0x56: {  	s3 =	rddreg [dreg:$0x2];
	[bflag:$0x3] =	sbarrier.arrive $0xFFFF;
	s2 =	simm.s32 @!p0 $0x1C02  }
0x57: {  	[timem:s3], [sflag:s2] =	dma.local @!p0 [hbm:s0], s1  }
0x58: {  	s0 =	simm.s32 @!p0 $0x2  }
0x59: {  	_ =	swait.ge @!p0 [sflag:s0], s1  }
0x5a: {  	s1 =	ssub.s32 @!p0 $0x0, s1;
	[sflag:s0] =	ssyncset.done @!p0 $0x0  }
0x5b: {  	[sflag:s0] =	ssyncadd.s32 @!p0 s1  }
0x5c: {  	[bflag:$0x3] =	sbarrier.arrive $0xFFFF  }
0x5d: {  	_ =	shalt  }

</sc_bundles>
